<compile_context>
chip_gen: v7x
topology: tpu7x:2x2x1
jax: 0.10.2.dev20260603
libtpu: 0.0.44.dev20260713+nightly
codegen_flags: <defaults>
</compile_context>

<pallas_src>
import jax
import jax.numpy as jnp
from jax import lax
from jax.experimental import pallas as pl
from jax.experimental.pallas import tpu as pltpu
from jax.experimental.pallas import tpu_sc as plsc

ROWS = 128
COLS = 32768
SC_COLS = 8192
TC_COLS = COLS - SC_COLS

BW = 2048
TC_GRID = TC_COLS // BW


def _tc_body(x_ref, o_ref):
    v = x_ref[...]
    ridx = lax.broadcasted_iota(jnp.int32, (ROWS, BW), 0)
    mx = jnp.max(v, axis=0, keepdims=True)
    cand = jnp.where(v == mx, ridx, jnp.int32(ROWS))
    o_ref[...] = jnp.min(cand, axis=0, keepdims=True)


NC = 2
NS = 16
L = 16
NW = NC * NS
CPW = SC_COLS // NW
CHUNK = 128
NCHUNK = CPW // CHUNK
G = CHUNK // L


def _sc_body(x_hbm, out_hbm, buf0, buf1, idx_v, sem0, sem1):
    wid = lax.axis_index("s") * NC + lax.axis_index("c")
    base = wid * CPW
    bufs = (buf0, buf1)
    sems = (sem0, sem1)

    def src(ci):
        return x_hbm.at[:, pl.ds(TC_COLS + base + ci * CHUNK, CHUNK)]

    copies = [None] * NCHUNK
    copies[0] = pltpu.async_copy(src(0), bufs[0], sems[0])
    for ci in range(NCHUNK):
        if ci + 1 < NCHUNK:
            copies[ci + 1] = pltpu.async_copy(
                src(ci + 1), bufs[(ci + 1) % 2], sems[(ci + 1) % 2])
        copies[ci].wait()
        buf = bufs[ci % 2]

        maxv0 = tuple(buf[0, pl.ds(g * L, L)] for g in range(G))
        maxi0 = tuple(jnp.zeros((L,), jnp.int32) for _ in range(G))

        def row_step(r, carry, buf=buf):
            mv, mi = carry
            ridx = jnp.full((L,), r, jnp.int32)
            nmv, nmi = [], []
            for g in range(G):
                v = buf[r, pl.ds(g * L, L)]
                gt = v > mv[g]
                nmv.append(jnp.where(gt, v, mv[g]))
                nmi.append(jnp.where(gt, ridx, mi[g]))
            return tuple(nmv), tuple(nmi)

        _, maxi = lax.fori_loop(1, ROWS, row_step, (maxv0, maxi0))
        for g in range(G):
            idx_v[pl.ds(ci * CHUNK + g * L, L)] = maxi[g]

    pltpu.sync_copy(idx_v, out_hbm.at[pl.ds(base, CPW)])


@jax.jit
def _argmax_hybrid(x):
    mesh = plsc.VectorSubcoreMesh(core_axis_name="c", subcore_axis_name="s")
    sc_f = pl.kernel(
        _sc_body,
        out_type=jax.ShapeDtypeStruct((SC_COLS,), jnp.int32),
        mesh=mesh,
        scratch_types=[
            pltpu.VMEM((ROWS, CHUNK), jnp.float32),
            pltpu.VMEM((ROWS, CHUNK), jnp.float32),
            pltpu.VMEM((CPW,), jnp.int32),
            pltpu.SemaphoreType.DMA,
            pltpu.SemaphoreType.DMA,
        ],
    )
    sc_out = sc_f(x)
    tc_out = pl.pallas_call(
        _tc_body,
        grid=(TC_GRID,),
        in_specs=[pl.BlockSpec((ROWS, BW), lambda i: (0, i))],
        out_specs=pl.BlockSpec((1, BW), lambda i: (0, i)),
        out_shape=jax.ShapeDtypeStruct((1, TC_COLS), jnp.int32),
    )(x)
    return jnp.concatenate([tc_out, sc_out.reshape(1, SC_COLS)], axis=1)


def kernel(x):
    return _argmax_hybrid(x).astype(jnp.int64)

# --- scband reference (transcript-rebuilt; emitter-appended) ---
"""Pipeline reference for scband-argmax-48773648614169 (READ-ONLY COPY).

The authoritative reference and input builder live on the scoring server;
editing this copy changes nothing except your own understanding.
"""

import jax, jax.numpy as jnp
import numpy as np


def setup_inputs(seed: int = 0) -> dict:
    key = jax.random.key(seed)
    x = jax.random.normal(key, (128, 32768), dtype=jnp.float32)
    return {"x": x}


def reference(x):
    # torch.argmax(x, dim=0, keepdim=True)
    out = jnp.argmax(x, axis=0, keepdims=True).astype(jnp.int64)
    return out

if __name__ == "__main__":
    import jax
    _d = setup_inputs()
    print(jax.jit(kernel)(*tuple(_d.values())))

</pallas_src>

<mosaic_0001>
#map = affine_map<(d0, d1) -> (0, 0)>
#map1 = affine_map<(d0, d1) -> (0)>
module attributes {stable_mosaic.version = 14 : i64} {
  func.func @_sc_body(%arg0: i32, %arg1: i32, %arg2: memref<128x32768xf32, #tpu.memory_space<hbm>>, %arg3: memref<8192xi32, #tpu.memory_space<hbm>>, %arg4: memref<128x128xf32, #tpu.memory_space<vmem>>, %arg5: memref<128x128xf32, #tpu.memory_space<vmem>>, %arg6: memref<256xi32, #tpu.memory_space<vmem>>, %arg7: memref<!tpu.dma_semaphore, #tpu.memory_space<semaphore_mem>>, %arg8: memref<!tpu.dma_semaphore, #tpu.memory_space<semaphore_mem>>) attributes {dimension_semantics = [#tpu.dimension_semantics<core_parallel>, #tpu.dimension_semantics<subcore_parallel>], iteration_bounds = array<i64: 2, 16>, scalar_prefetch = 0 : i64, scratch_operands = 5 : i64, tpu.core_type = #tpu.core_type<sc_vector_subcore>, window_params = [{transform_indices = #map}, {transform_indices = #map1}]} {
    %mul3A = arith.constant 2 : i32
    %mul3A_0 = arith.muli %arg1, %mul3A : i32
    %add3A = arith.addi %mul3A_0, %arg0 : i32
    %mul3A_1 = arith.constant 256 : i32
    %mul3A_2 = arith.muli %add3A, %mul3A_1 : i32
    %add3A_3 = arith.constant 24576 : i32
    %add3A_4 = arith.addi %add3A_3, %mul3A_2 : i32
    %add3A_5 = arith.constant 0 : i32
    %add3A_6 = arith.addi %add3A_4, %add3A_5 : i32
    %dma_start3A = arith.constant 0 : i32
    %dma_start3A_7 = tpu.memref_slice %arg2[%dma_start3A, %add3A_6] : memref<128x32768xf32, #tpu.memory_space<hbm>> -> memref<128x128xf32, #tpu.memory_space<hbm>>
    %dma_start3A_8 = arith.constant 0 : i32
    %dma_start3A_9 = tpu.memref_slice %arg2[%dma_start3A_8, %add3A_6] : memref<128x32768xf32, #tpu.memory_space<hbm>> -> memref<128x128xf32, #tpu.memory_space<hbm>>
    tpu.enqueue_dma source(%dma_start3A_9 : memref<128x128xf32, #tpu.memory_space<hbm>>) target(%arg4 : memref<128x128xf32, #tpu.memory_space<vmem>>) target_semaphore(%arg7 : memref<!tpu.dma_semaphore, #tpu.memory_space<semaphore_mem>>)
    %add3A_10 = arith.constant 24576 : i32
    %add3A_11 = arith.addi %add3A_10, %mul3A_2 : i32
    %add3A_12 = arith.constant 128 : i32
    %add3A_13 = arith.addi %add3A_11, %add3A_12 : i32
    %dma_start3A_14 = arith.constant 0 : i32
    %dma_start3A_15 = tpu.memref_slice %arg2[%dma_start3A_14, %add3A_13] : memref<128x32768xf32, #tpu.memory_space<hbm>> -> memref<128x128xf32, #tpu.memory_space<hbm>>
    %dma_start3A_16 = arith.constant 0 : i32
    %dma_start3A_17 = tpu.memref_slice %arg2[%dma_start3A_16, %add3A_13] : memref<128x32768xf32, #tpu.memory_space<hbm>> -> memref<128x128xf32, #tpu.memory_space<hbm>>
    tpu.enqueue_dma source(%dma_start3A_17 : memref<128x128xf32, #tpu.memory_space<hbm>>) target(%arg5 : memref<128x128xf32, #tpu.memory_space<vmem>>) target_semaphore(%arg8 : memref<!tpu.dma_semaphore, #tpu.memory_space<semaphore_mem>>)
    %dma_wait3A = arith.constant 0 : i32
    %dma_wait3A_18 = tpu.memref_slice %arg2[%dma_wait3A, %add3A_6] : memref<128x32768xf32, #tpu.memory_space<hbm>> -> memref<128x128xf32, #tpu.memory_space<hbm>>
    %dma_wait3A_19 = arith.constant 0 : i32
    %dma_wait3A_20 = tpu.memref_slice %arg2[%dma_wait3A_19, %add3A_6] : memref<128x32768xf32, #tpu.memory_space<hbm>> -> memref<128x128xf32, #tpu.memory_space<hbm>>
    tpu.wait_dma2 semaphore(%arg7 : memref<!tpu.dma_semaphore, #tpu.memory_space<semaphore_mem>>) src(%dma_wait3A_20 : memref<128x128xf32, #tpu.memory_space<hbm>>) dst(%arg4 : memref<128x128xf32, #tpu.memory_space<vmem>>)
    %get3A = arith.constant 0 : i32
    %get3A_21 = arith.index_cast %get3A : i32 to index
    %get3A_22 = arith.constant 0 : index
    %get3A_23 = tpu.vector_load %arg4[%get3A_21, %get3A_22] {strides = array<i32>} : memref<128x128xf32, #tpu.memory_space<vmem>>, vector<1x16xf32>,
    %get3A_24 = vector.shape_cast %get3A_23 : vector<1x16xf32> to vector<16xf32>
    %get3A_25 = arith.constant 0 : i32
    %get3A_26 = arith.index_cast %get3A_25 : i32 to index
    %get3A_27 = arith.constant 16 : index
    %get3A_28 = tpu.vector_load %arg4[%get3A_26, %get3A_27] {strides = array<i32>} : memref<128x128xf32, #tpu.memory_space<vmem>>, vector<1x16xf32>,
    %get3A_29 = vector.shape_cast %get3A_28 : vector<1x16xf32> to vector<16xf32>
    %get3A_30 = arith.constant 0 : i32
    %get3A_31 = arith.index_cast %get3A_30 : i32 to index
    %get3A_32 = arith.constant 32 : index
    %get3A_33 = tpu.vector_load %arg4[%get3A_31, %get3A_32] {strides = array<i32>} : memref<128x128xf32, #tpu.memory_space<vmem>>, vector<1x16xf32>,
    %get3A_34 = vector.shape_cast %get3A_33 : vector<1x16xf32> to vector<16xf32>
    %get3A_35 = arith.constant 0 : i32
    %get3A_36 = arith.index_cast %get3A_35 : i32 to index
    %get3A_37 = arith.constant 48 : index
    %get3A_38 = tpu.vector_load %arg4[%get3A_36, %get3A_37] {strides = array<i32>} : memref<128x128xf32, #tpu.memory_space<vmem>>, vector<1x16xf32>,
    %get3A_39 = vector.shape_cast %get3A_38 : vector<1x16xf32> to vector<16xf32>
    %get3A_40 = arith.constant 0 : i32
    %get3A_41 = arith.index_cast %get3A_40 : i32 to index
    %get3A_42 = arith.constant 64 : index
    %get3A_43 = tpu.vector_load %arg4[%get3A_41, %get3A_42] {strides = array<i32>} : memref<128x128xf32, #tpu.memory_space<vmem>>, vector<1x16xf32>,
    %get3A_44 = vector.shape_cast %get3A_43 : vector<1x16xf32> to vector<16xf32>
    %get3A_45 = arith.constant 0 : i32
    %get3A_46 = arith.index_cast %get3A_45 : i32 to index
    %get3A_47 = arith.constant 80 : index
    %get3A_48 = tpu.vector_load %arg4[%get3A_46, %get3A_47] {strides = array<i32>} : memref<128x128xf32, #tpu.memory_space<vmem>>, vector<1x16xf32>,
    %get3A_49 = vector.shape_cast %get3A_48 : vector<1x16xf32> to vector<16xf32>
    %get3A_50 = arith.constant 0 : i32
    %get3A_51 = arith.index_cast %get3A_50 : i32 to index
    %get3A_52 = arith.constant 96 : index
    %get3A_53 = tpu.vector_load %arg4[%get3A_51, %get3A_52] {strides = array<i32>} : memref<128x128xf32, #tpu.memory_space<vmem>>, vector<1x16xf32>,
    %get3A_54 = vector.shape_cast %get3A_53 : vector<1x16xf32> to vector<16xf32>
    %get3A_55 = arith.constant 0 : i32
    %get3A_56 = arith.index_cast %get3A_55 : i32 to index
    %get3A_57 = arith.constant 112 : index
    %get3A_58 = tpu.vector_load %arg4[%get3A_56, %get3A_57] {strides = array<i32>} : memref<128x128xf32, #tpu.memory_space<vmem>>, vector<1x16xf32>,
    %get3A_59 = vector.shape_cast %get3A_58 : vector<1x16xf32> to vector<16xf32>
    %broadcast_in_dim3A = arith.constant 0 : i32
    %broadcast_in_dim3A_60 = vector.broadcast %broadcast_in_dim3A : i32 to vector<16xi32>
    %broadcast_in_dim3A_61 = arith.constant 0 : i32
    %broadcast_in_dim3A_62 = vector.broadcast %broadcast_in_dim3A_61 : i32 to vector<16xi32>
    %broadcast_in_dim3A_63 = arith.constant 0 : i32
    %broadcast_in_dim3A_64 = vector.broadcast %broadcast_in_dim3A_63 : i32 to vector<16xi32>
    %broadcast_in_dim3A_65 = arith.constant 0 : i32
    %broadcast_in_dim3A_66 = vector.broadcast %broadcast_in_dim3A_65 : i32 to vector<16xi32>
    %broadcast_in_dim3A_67 = arith.constant 0 : i32
    %broadcast_in_dim3A_68 = vector.broadcast %broadcast_in_dim3A_67 : i32 to vector<16xi32>
    %broadcast_in_dim3A_69 = arith.constant 0 : i32
    %broadcast_in_dim3A_70 = vector.broadcast %broadcast_in_dim3A_69 : i32 to vector<16xi32>
    %broadcast_in_dim3A_71 = arith.constant 0 : i32
    %broadcast_in_dim3A_72 = vector.broadcast %broadcast_in_dim3A_71 : i32 to vector<16xi32>
    %broadcast_in_dim3A_73 = arith.constant 0 : i32
    %broadcast_in_dim3A_74 = vector.broadcast %broadcast_in_dim3A_73 : i32 to vector<16xi32>
    %scan3A = arith.constant 1 : i32
    %scan3A_75 = arith.constant 127 : i32
    %scan3A_76 = arith.addi %scan3A, %scan3A_75 : i32
    %scan3A_77 = arith.constant 1 : i32
    %scan3A_78:16 = scf.for %scan3A_209 = %scan3A to %scan3A_76 step %scan3A_77 iter_args(%scan3A_210 = %get3A_24, %scan3A_211 = %get3A_29, %scan3A_212 = %get3A_34, %scan3A_213 = %get3A_39, %scan3A_214 = %get3A_44, %scan3A_215 = %get3A_49, %scan3A_216 = %get3A_54, %scan3A_217 = %get3A_59, %scan3A_218 = %broadcast_in_dim3A_60, %scan3A_219 = %broadcast_in_dim3A_62, %scan3A_220 = %broadcast_in_dim3A_64, %scan3A_221 = %broadcast_in_dim3A_66, %scan3A_222 = %broadcast_in_dim3A_68, %scan3A_223 = %broadcast_in_dim3A_70, %scan3A_224 = %broadcast_in_dim3A_72, %scan3A_225 = %broadcast_in_dim3A_74) -> (vector<16xf32>, vector<16xf32>, vector<16xf32>, vector<16xf32>, vector<16xf32>, vector<16xf32>, vector<16xf32>, vector<16xf32>, vector<16xi32>, vector<16xi32>, vector<16xi32>, vector<16xi32>, vector<16xi32>, vector<16xi32>, vector<16xi32>, vector<16xi32>)  : i32 {
      %broadcast_in_dim3A_226 = vector.broadcast %scan3A_209 : i32 to vector<16xi32>
      %get3A_227 = arith.index_cast %scan3A_209 : i32 to index
      %get3A_228 = arith.constant 0 : index
      %get3A_229 = tpu.vector_load %arg4[%get3A_227, %get3A_228] {strides = array<i32>} : memref<128x128xf32, #tpu.memory_space<vmem>>, vector<1x16xf32>,
      %get3A_230 = vector.shape_cast %get3A_229 : vector<1x16xf32> to vector<16xf32>
      %gt3A = arith.cmpf ogt, %get3A_230, %scan3A_210 : vector<16xf32>
      %select_n3A = arith.select %gt3A, %get3A_230, %scan3A_210 : vector<16xi1>, vector<16xf32>
      %select_n3A_231 = arith.select %gt3A, %broadcast_in_dim3A_226, %scan3A_218 : vector<16xi1>, vector<16xi32>
      %get3A_232 = arith.index_cast %scan3A_209 : i32 to index
      %get3A_233 = arith.constant 16 : index
      %get3A_234 = tpu.vector_load %arg4[%get3A_232, %get3A_233] {strides = array<i32>} : memref<128x128xf32, #tpu.memory_space<vmem>>, vector<1x16xf32>,
      %get3A_235 = vector.shape_cast %get3A_234 : vector<1x16xf32> to vector<16xf32>
      %gt3A_236 = arith.cmpf ogt, %get3A_235, %scan3A_211 : vector<16xf32>
      %select_n3A_237 = arith.select %gt3A_236, %get3A_235, %scan3A_211 : vector<16xi1>, vector<16xf32>
      %select_n3A_238 = arith.select %gt3A_236, %broadcast_in_dim3A_226, %scan3A_219 : vector<16xi1>, vector<16xi32>
      %get3A_239 = arith.index_cast %scan3A_209 : i32 to index
      %get3A_240 = arith.constant 32 : index
      %get3A_241 = tpu.vector_load %arg4[%get3A_239, %get3A_240] {strides = array<i32>} : memref<128x128xf32, #tpu.memory_space<vmem>>, vector<1x16xf32>,
      %get3A_242 = vector.shape_cast %get3A_241 : vector<1x16xf32> to vector<16xf32>
      %gt3A_243 = arith.cmpf ogt, %get3A_242, %scan3A_212 : vector<16xf32>
      %select_n3A_244 = arith.select %gt3A_243, %get3A_242, %scan3A_212 : vector<16xi1>, vector<16xf32>
      %select_n3A_245 = arith.select %gt3A_243, %broadcast_in_dim3A_226, %scan3A_220 : vector<16xi1>, vector<16xi32>
      %get3A_246 = arith.index_cast %scan3A_209 : i32 to index
      %get3A_247 = arith.constant 48 : index
      %get3A_248 = tpu.vector_load %arg4[%get3A_246, %get3A_247] {strides = array<i32>} : memref<128x128xf32, #tpu.memory_space<vmem>>, vector<1x16xf32>,
      %get3A_249 = vector.shape_cast %get3A_248 : vector<1x16xf32> to vector<16xf32>
      %gt3A_250 = arith.cmpf ogt, %get3A_249, %scan3A_213 : vector<16xf32>
      %select_n3A_251 = arith.select %gt3A_250, %get3A_249, %scan3A_213 : vector<16xi1>, vector<16xf32>
      %select_n3A_252 = arith.select %gt3A_250, %broadcast_in_dim3A_226, %scan3A_221 : vector<16xi1>, vector<16xi32>
      %get3A_253 = arith.index_cast %scan3A_209 : i32 to index
      %get3A_254 = arith.constant 64 : index
      %get3A_255 = tpu.vector_load %arg4[%get3A_253, %get3A_254] {strides = array<i32>} : memref<128x128xf32, #tpu.memory_space<vmem>>, vector<1x16xf32>,
      %get3A_256 = vector.shape_cast %get3A_255 : vector<1x16xf32> to vector<16xf32>
      %gt3A_257 = arith.cmpf ogt, %get3A_256, %scan3A_214 : vector<16xf32>
      %select_n3A_258 = arith.select %gt3A_257, %get3A_256, %scan3A_214 : vector<16xi1>, vector<16xf32>
      %select_n3A_259 = arith.select %gt3A_257, %broadcast_in_dim3A_226, %scan3A_222 : vector<16xi1>, vector<16xi32>
      %get3A_260 = arith.index_cast %scan3A_209 : i32 to index
      %get3A_261 = arith.constant 80 : index
      %get3A_262 = tpu.vector_load %arg4[%get3A_260, %get3A_261] {strides = array<i32>} : memref<128x128xf32, #tpu.memory_space<vmem>>, vector<1x16xf32>,
      %get3A_263 = vector.shape_cast %get3A_262 : vector<1x16xf32> to vector<16xf32>
      %gt3A_264 = arith.cmpf ogt, %get3A_263, %scan3A_215 : vector<16xf32>
      %select_n3A_265 = arith.select %gt3A_264, %get3A_263, %scan3A_215 : vector<16xi1>, vector<16xf32>
      %select_n3A_266 = arith.select %gt3A_264, %broadcast_in_dim3A_226, %scan3A_223 : vector<16xi1>, vector<16xi32>
      %get3A_267 = arith.index_cast %scan3A_209 : i32 to index
      %get3A_268 = arith.constant 96 : index
      %get3A_269 = tpu.vector_load %arg4[%get3A_267, %get3A_268] {strides = array<i32>} : memref<128x128xf32, #tpu.memory_space<vmem>>, vector<1x16xf32>,
      %get3A_270 = vector.shape_cast %get3A_269 : vector<1x16xf32> to vector<16xf32>
      %gt3A_271 = arith.cmpf ogt, %get3A_270, %scan3A_216 : vector<16xf32>
      %select_n3A_272 = arith.select %gt3A_271, %get3A_270, %scan3A_216 : vector<16xi1>, vector<16xf32>
      %select_n3A_273 = arith.select %gt3A_271, %broadcast_in_dim3A_226, %scan3A_224 : vector<16xi1>, vector<16xi32>
      %get3A_274 = arith.index_cast %scan3A_209 : i32 to index
      %get3A_275 = arith.constant 112 : index
      %get3A_276 = tpu.vector_load %arg4[%get3A_274, %get3A_275] {strides = array<i32>} : memref<128x128xf32, #tpu.memory_space<vmem>>, vector<1x16xf32>,
      %get3A_277 = vector.shape_cast %get3A_276 : vector<1x16xf32> to vector<16xf32>
      %gt3A_278 = arith.cmpf ogt, %get3A_277, %scan3A_217 : vector<16xf32>
      %select_n3A_279 = arith.select %gt3A_278, %get3A_277, %scan3A_217 : vector<16xi1>, vector<16xf32>
      %select_n3A_280 = arith.select %gt3A_278, %broadcast_in_dim3A_226, %scan3A_225 : vector<16xi1>, vector<16xi32>
      scf.yield %select_n3A, %select_n3A_237, %select_n3A_244, %select_n3A_251, %select_n3A_258, %select_n3A_265, %select_n3A_272, %select_n3A_279, %select_n3A_231, %select_n3A_238, %select_n3A_245, %select_n3A_252, %select_n3A_259, %select_n3A_266, %select_n3A_273, %select_n3A_280 : vector<16xf32>, vector<16xf32>, vector<16xf32>, vector<16xf32>, vector<16xf32>, vector<16xf32>, vector<16xf32>, vector<16xf32>, vector<16xi32>, vector<16xi32>, vector<16xi32>, vector<16xi32>, vector<16xi32>, vector<16xi32>, vector<16xi32>, vector<16xi32>
    }
    %scan3A_79 = arith.constant 127 : i32
    %swap3A = arith.constant 0 : index
    %swap3A_80 = tpu.vector_load %arg6[%swap3A] {strides = array<i32>} : memref<256xi32, #tpu.memory_space<vmem>>, vector<16xi32>,
    %swap3A_81 = vector.shape_cast %swap3A_80 : vector<16xi32> to vector<16xi32>
    %swap3A_82 = vector.shape_cast %scan3A_78#8 : vector<16xi32> to vector<16xi32>
    tpu.vector_store %arg6[%swap3A], %swap3A_82 {strides = array<i32>} : memref<256xi32, #tpu.memory_space<vmem>>, vector<16xi32>,
    %swap3A_83 = arith.constant 16 : index
    %swap3A_84 = tpu.vector_load %arg6[%swap3A_83] {strides = array<i32>} : memref<256xi32, #tpu.memory_space<vmem>>, vector<16xi32>,
    %swap3A_85 = vector.shape_cast %swap3A_84 : vector<16xi32> to vector<16xi32>
    %swap3A_86 = vector.shape_cast %scan3A_78#9 : vector<16xi32> to vector<16xi32>
    tpu.vector_store %arg6[%swap3A_83], %swap3A_86 {strides = array<i32>} : memref<256xi32, #tpu.memory_space<vmem>>, vector<16xi32>,
    %swap3A_87 = arith.constant 32 : index
    %swap3A_88 = tpu.vector_load %arg6[%swap3A_87] {strides = array<i32>} : memref<256xi32, #tpu.memory_space<vmem>>, vector<16xi32>,
    %swap3A_89 = vector.shape_cast %swap3A_88 : vector<16xi32> to vector<16xi32>
    %swap3A_90 = vector.shape_cast %scan3A_78#10 : vector<16xi32> to vector<16xi32>
    tpu.vector_store %arg6[%swap3A_87], %swap3A_90 {strides = array<i32>} : memref<256xi32, #tpu.memory_space<vmem>>, vector<16xi32>,
    %swap3A_91 = arith.constant 48 : index
    %swap3A_92 = tpu.vector_load %arg6[%swap3A_91] {strides = array<i32>} : memref<256xi32, #tpu.memory_space<vmem>>, vector<16xi32>,
    %swap3A_93 = vector.shape_cast %swap3A_92 : vector<16xi32> to vector<16xi32>
    %swap3A_94 = vector.shape_cast %scan3A_78#11 : vector<16xi32> to vector<16xi32>
    tpu.vector_store %arg6[%swap3A_91], %swap3A_94 {strides = array<i32>} : memref<256xi32, #tpu.memory_space<vmem>>, vector<16xi32>,
    %swap3A_95 = arith.constant 64 : index
    %swap3A_96 = tpu.vector_load %arg6[%swap3A_95] {strides = array<i32>} : memref<256xi32, #tpu.memory_space<vmem>>, vector<16xi32>,
    %swap3A_97 = vector.shape_cast %swap3A_96 : vector<16xi32> to vector<16xi32>
    %swap3A_98 = vector.shape_cast %scan3A_78#12 : vector<16xi32> to vector<16xi32>
    tpu.vector_store %arg6[%swap3A_95], %swap3A_98 {strides = array<i32>} : memref<256xi32, #tpu.memory_space<vmem>>, vector<16xi32>,
    %swap3A_99 = arith.constant 80 : index
    %swap3A_100 = tpu.vector_load %arg6[%swap3A_99] {strides = array<i32>} : memref<256xi32, #tpu.memory_space<vmem>>, vector<16xi32>,
    %swap3A_101 = vector.shape_cast %swap3A_100 : vector<16xi32> to vector<16xi32>
    %swap3A_102 = vector.shape_cast %scan3A_78#13 : vector<16xi32> to vector<16xi32>
    tpu.vector_store %arg6[%swap3A_99], %swap3A_102 {strides = array<i32>} : memref<256xi32, #tpu.memory_space<vmem>>, vector<16xi32>,
    %swap3A_103 = arith.constant 96 : index
    %swap3A_104 = tpu.vector_load %arg6[%swap3A_103] {strides = array<i32>} : memref<256xi32, #tpu.memory_space<vmem>>, vector<16xi32>,
    %swap3A_105 = vector.shape_cast %swap3A_104 : vector<16xi32> to vector<16xi32>
    %swap3A_106 = vector.shape_cast %scan3A_78#14 : vector<16xi32> to vector<16xi32>
    tpu.vector_store %arg6[%swap3A_103], %swap3A_106 {strides = array<i32>} : memref<256xi32, #tpu.memory_space<vmem>>, vector<16xi32>,
    %swap3A_107 = arith.constant 112 : index
    %swap3A_108 = tpu.vector_load %arg6[%swap3A_107] {strides = array<i32>} : memref<256xi32, #tpu.memory_space<vmem>>, vector<16xi32>,
    %swap3A_109 = vector.shape_cast %swap3A_108 : vector<16xi32> to vector<16xi32>
    %swap3A_110 = vector.shape_cast %scan3A_78#15 : vector<16xi32> to vector<16xi32>
    tpu.vector_store %arg6[%swap3A_107], %swap3A_110 {strides = array<i32>} : memref<256xi32, #tpu.memory_space<vmem>>, vector<16xi32>,
    %dma_wait3A_111 = arith.constant 0 : i32
    %dma_wait3A_112 = tpu.memref_slice %arg2[%dma_wait3A_111, %add3A_13] : memref<128x32768xf32, #tpu.memory_space<hbm>> -> memref<128x128xf32, #tpu.memory_space<hbm>>
    %dma_wait3A_113 = arith.constant 0 : i32
    %dma_wait3A_114 = tpu.memref_slice %arg2[%dma_wait3A_113, %add3A_13] : memref<128x32768xf32, #tpu.memory_space<hbm>> -> memref<128x128xf32, #tpu.memory_space<hbm>>
    tpu.wait_dma2 semaphore(%arg8 : memref<!tpu.dma_semaphore, #tpu.memory_space<semaphore_mem>>) src(%dma_wait3A_114 : memref<128x128xf32, #tpu.memory_space<hbm>>) dst(%arg5 : memref<128x128xf32, #tpu.memory_space<vmem>>)
    %get3A_115 = arith.constant 0 : i32
    %get3A_116 = arith.index_cast %get3A_115 : i32 to index
    %get3A_117 = arith.constant 0 : index
    %get3A_118 = tpu.vector_load %arg5[%get3A_116, %get3A_117] {strides = array<i32>} : memref<128x128xf32, #tpu.memory_space<vmem>>, vector<1x16xf32>,
    %get3A_119 = vector.shape_cast %get3A_118 : vector<1x16xf32> to vector<16xf32>
    %get3A_120 = arith.constant 0 : i32
    %get3A_121 = arith.index_cast %get3A_120 : i32 to index
    %get3A_122 = arith.constant 16 : index
    %get3A_123 = tpu.vector_load %arg5[%get3A_121, %get3A_122] {strides = array<i32>} : memref<128x128xf32, #tpu.memory_space<vmem>>, vector<1x16xf32>,
    %get3A_124 = vector.shape_cast %get3A_123 : vector<1x16xf32> to vector<16xf32>
    %get3A_125 = arith.constant 0 : i32
    %get3A_126 = arith.index_cast %get3A_125 : i32 to index
    %get3A_127 = arith.constant 32 : index
    %get3A_128 = tpu.vector_load %arg5[%get3A_126, %get3A_127] {strides = array<i32>} : memref<128x128xf32, #tpu.memory_space<vmem>>, vector<1x16xf32>,
    %get3A_129 = vector.shape_cast %get3A_128 : vector<1x16xf32> to vector<16xf32>
    %get3A_130 = arith.constant 0 : i32
    %get3A_131 = arith.index_cast %get3A_130 : i32 to index
    %get3A_132 = arith.constant 48 : index
    %get3A_133 = tpu.vector_load %arg5[%get3A_131, %get3A_132] {strides = array<i32>} : memref<128x128xf32, #tpu.memory_space<vmem>>, vector<1x16xf32>,
    %get3A_134 = vector.shape_cast %get3A_133 : vector<1x16xf32> to vector<16xf32>
    %get3A_135 = arith.constant 0 : i32
    %get3A_136 = arith.index_cast %get3A_135 : i32 to index
    %get3A_137 = arith.constant 64 : index
    %get3A_138 = tpu.vector_load %arg5[%get3A_136, %get3A_137] {strides = array<i32>} : memref<128x128xf32, #tpu.memory_space<vmem>>, vector<1x16xf32>,
    %get3A_139 = vector.shape_cast %get3A_138 : vector<1x16xf32> to vector<16xf32>
    %get3A_140 = arith.constant 0 : i32
    %get3A_141 = arith.index_cast %get3A_140 : i32 to index
    %get3A_142 = arith.constant 80 : index
    %get3A_143 = tpu.vector_load %arg5[%get3A_141, %get3A_142] {strides = array<i32>} : memref<128x128xf32, #tpu.memory_space<vmem>>, vector<1x16xf32>,
    %get3A_144 = vector.shape_cast %get3A_143 : vector<1x16xf32> to vector<16xf32>
    %get3A_145 = arith.constant 0 : i32
    %get3A_146 = arith.index_cast %get3A_145 : i32 to index
    %get3A_147 = arith.constant 96 : index
    %get3A_148 = tpu.vector_load %arg5[%get3A_146, %get3A_147] {strides = array<i32>} : memref<128x128xf32, #tpu.memory_space<vmem>>, vector<1x16xf32>,
    %get3A_149 = vector.shape_cast %get3A_148 : vector<1x16xf32> to vector<16xf32>
    %get3A_150 = arith.constant 0 : i32
    %get3A_151 = arith.index_cast %get3A_150 : i32 to index
    %get3A_152 = arith.constant 112 : index
    %get3A_153 = tpu.vector_load %arg5[%get3A_151, %get3A_152] {strides = array<i32>} : memref<128x128xf32, #tpu.memory_space<vmem>>, vector<1x16xf32>,
    %get3A_154 = vector.shape_cast %get3A_153 : vector<1x16xf32> to vector<16xf32>
    %broadcast_in_dim3A_155 = arith.constant 0 : i32
    %broadcast_in_dim3A_156 = vector.broadcast %broadcast_in_dim3A_155 : i32 to vector<16xi32>
    %broadcast_in_dim3A_157 = arith.constant 0 : i32
    %broadcast_in_dim3A_158 = vector.broadcast %broadcast_in_dim3A_157 : i32 to vector<16xi32>
    %broadcast_in_dim3A_159 = arith.constant 0 : i32
    %broadcast_in_dim3A_160 = vector.broadcast %broadcast_in_dim3A_159 : i32 to vector<16xi32>
    %broadcast_in_dim3A_161 = arith.constant 0 : i32
    %broadcast_in_dim3A_162 = vector.broadcast %broadcast_in_dim3A_161 : i32 to vector<16xi32>
    %broadcast_in_dim3A_163 = arith.constant 0 : i32
    %broadcast_in_dim3A_164 = vector.broadcast %broadcast_in_dim3A_163 : i32 to vector<16xi32>
    %broadcast_in_dim3A_165 = arith.constant 0 : i32
    %broadcast_in_dim3A_166 = vector.broadcast %broadcast_in_dim3A_165 : i32 to vector<16xi32>
    %broadcast_in_dim3A_167 = arith.constant 0 : i32
    %broadcast_in_dim3A_168 = vector.broadcast %broadcast_in_dim3A_167 : i32 to vector<16xi32>
    %broadcast_in_dim3A_169 = arith.constant 0 : i32
    %broadcast_in_dim3A_170 = vector.broadcast %broadcast_in_dim3A_169 : i32 to vector<16xi32>
    %scan3A_171 = arith.constant 1 : i32
    %scan3A_172 = arith.constant 127 : i32
    %scan3A_173 = arith.addi %scan3A_171, %scan3A_172 : i32
    %scan3A_174 = arith.constant 1 : i32
    %scan3A_175:16 = scf.for %scan3A_209 = %scan3A_171 to %scan3A_173 step %scan3A_174 iter_args(%scan3A_210 = %get3A_119, %scan3A_211 = %get3A_124, %scan3A_212 = %get3A_129, %scan3A_213 = %get3A_134, %scan3A_214 = %get3A_139, %scan3A_215 = %get3A_144, %scan3A_216 = %get3A_149, %scan3A_217 = %get3A_154, %scan3A_218 = %broadcast_in_dim3A_156, %scan3A_219 = %broadcast_in_dim3A_158, %scan3A_220 = %broadcast_in_dim3A_160, %scan3A_221 = %broadcast_in_dim3A_162, %scan3A_222 = %broadcast_in_dim3A_164, %scan3A_223 = %broadcast_in_dim3A_166, %scan3A_224 = %broadcast_in_dim3A_168, %scan3A_225 = %broadcast_in_dim3A_170) -> (vector<16xf32>, vector<16xf32>, vector<16xf32>, vector<16xf32>, vector<16xf32>, vector<16xf32>, vector<16xf32>, vector<16xf32>, vector<16xi32>, vector<16xi32>, vector<16xi32>, vector<16xi32>, vector<16xi32>, vector<16xi32>, vector<16xi32>, vector<16xi32>)  : i32 {
      %broadcast_in_dim3A_226 = vector.broadcast %scan3A_209 : i32 to vector<16xi32>
      %get3A_227 = arith.index_cast %scan3A_209 : i32 to index
      %get3A_228 = arith.constant 0 : index
      %get3A_229 = tpu.vector_load %arg5[%get3A_227, %get3A_228] {strides = array<i32>} : memref<128x128xf32, #tpu.memory_space<vmem>>, vector<1x16xf32>,
      %get3A_230 = vector.shape_cast %get3A_229 : vector<1x16xf32> to vector<16xf32>
      %gt3A = arith.cmpf ogt, %get3A_230, %scan3A_210 : vector<16xf32>
      %select_n3A = arith.select %gt3A, %get3A_230, %scan3A_210 : vector<16xi1>, vector<16xf32>
      %select_n3A_231 = arith.select %gt3A, %broadcast_in_dim3A_226, %scan3A_218 : vector<16xi1>, vector<16xi32>
      %get3A_232 = arith.index_cast %scan3A_209 : i32 to index
      %get3A_233 = arith.constant 16 : index
      %get3A_234 = tpu.vector_load %arg5[%get3A_232, %get3A_233] {strides = array<i32>} : memref<128x128xf32, #tpu.memory_space<vmem>>, vector<1x16xf32>,
      %get3A_235 = vector.shape_cast %get3A_234 : vector<1x16xf32> to vector<16xf32>
      %gt3A_236 = arith.cmpf ogt, %get3A_235, %scan3A_211 : vector<16xf32>
      %select_n3A_237 = arith.select %gt3A_236, %get3A_235, %scan3A_211 : vector<16xi1>, vector<16xf32>
      %select_n3A_238 = arith.select %gt3A_236, %broadcast_in_dim3A_226, %scan3A_219 : vector<16xi1>, vector<16xi32>
      %get3A_239 = arith.index_cast %scan3A_209 : i32 to index
      %get3A_240 = arith.constant 32 : index
      %get3A_241 = tpu.vector_load %arg5[%get3A_239, %get3A_240] {strides = array<i32>} : memref<128x128xf32, #tpu.memory_space<vmem>>, vector<1x16xf32>,
      %get3A_242 = vector.shape_cast %get3A_241 : vector<1x16xf32> to vector<16xf32>
      %gt3A_243 = arith.cmpf ogt, %get3A_242, %scan3A_212 : vector<16xf32>
      %select_n3A_244 = arith.select %gt3A_243, %get3A_242, %scan3A_212 : vector<16xi1>, vector<16xf32>
      %select_n3A_245 = arith.select %gt3A_243, %broadcast_in_dim3A_226, %scan3A_220 : vector<16xi1>, vector<16xi32>
      %get3A_246 = arith.index_cast %scan3A_209 : i32 to index
      %get3A_247 = arith.constant 48 : index
      %get3A_248 = tpu.vector_load %arg5[%get3A_246, %get3A_247] {strides = array<i32>} : memref<128x128xf32, #tpu.memory_space<vmem>>, vector<1x16xf32>,
      %get3A_249 = vector.shape_cast %get3A_248 : vector<1x16xf32> to vector<16xf32>
      %gt3A_250 = arith.cmpf ogt, %get3A_249, %scan3A_213 : vector<16xf32>
      %select_n3A_251 = arith.select %gt3A_250, %get3A_249, %scan3A_213 : vector<16xi1>, vector<16xf32>
      %select_n3A_252 = arith.select %gt3A_250, %broadcast_in_dim3A_226, %scan3A_221 : vector<16xi1>, vector<16xi32>
      %get3A_253 = arith.index_cast %scan3A_209 : i32 to index
      %get3A_254 = arith.constant 64 : index
      %get3A_255 = tpu.vector_load %arg5[%get3A_253, %get3A_254] {strides = array<i32>} : memref<128x128xf32, #tpu.memory_space<vmem>>, vector<1x16xf32>,
      %get3A_256 = vector.shape_cast %get3A_255 : vector<1x16xf32> to vector<16xf32>
      %gt3A_257 = arith.cmpf ogt, %get3A_256, %scan3A_214 : vector<16xf32>
      %select_n3A_258 = arith.select %gt3A_257, %get3A_256, %scan3A_214 : vector<16xi1>, vector<16xf32>
      %select_n3A_259 = arith.select %gt3A_257, %broadcast_in_dim3A_226, %scan3A_222 : vector<16xi1>, vector<16xi32>
      %get3A_260 = arith.index_cast %scan3A_209 : i32 to index
      %get3A_261 = arith.constant 80 : index
      %get3A_262 = tpu.vector_load %arg5[%get3A_260, %get3A_261] {strides = array<i32>} : memref<128x128xf32, #tpu.memory_space<vmem>>, vector<1x16xf32>,
      %get3A_263 = vector.shape_cast %get3A_262 : vector<1x16xf32> to vector<16xf32>
      %gt3A_264 = arith.cmpf ogt, %get3A_263, %scan3A_215 : vector<16xf32>
      %select_n3A_265 = arith.select %gt3A_264, %get3A_263, %scan3A_215 : vector<16xi1>, vector<16xf32>
      %select_n3A_266 = arith.select %gt3A_264, %broadcast_in_dim3A_226, %scan3A_223 : vector<16xi1>, vector<16xi32>
      %get3A_267 = arith.index_cast %scan3A_209 : i32 to index
      %get3A_268 = arith.constant 96 : index
      %get3A_269 = tpu.vector_load %arg5[%get3A_267, %get3A_268] {strides = array<i32>} : memref<128x128xf32, #tpu.memory_space<vmem>>, vector<1x16xf32>,
      %get3A_270 = vector.shape_cast %get3A_269 : vector<1x16xf32> to vector<16xf32>
      %gt3A_271 = arith.cmpf ogt, %get3A_270, %scan3A_216 : vector<16xf32>
      %select_n3A_272 = arith.select %gt3A_271, %get3A_270, %scan3A_216 : vector<16xi1>, vector<16xf32>
      %select_n3A_273 = arith.select %gt3A_271, %broadcast_in_dim3A_226, %scan3A_224 : vector<16xi1>, vector<16xi32>
      %get3A_274 = arith.index_cast %scan3A_209 : i32 to index
      %get3A_275 = arith.constant 112 : index
      %get3A_276 = tpu.vector_load %arg5[%get3A_274, %get3A_275] {strides = array<i32>} : memref<128x128xf32, #tpu.memory_space<vmem>>, vector<1x16xf32>,
      %get3A_277 = vector.shape_cast %get3A_276 : vector<1x16xf32> to vector<16xf32>
      %gt3A_278 = arith.cmpf ogt, %get3A_277, %scan3A_217 : vector<16xf32>
      %select_n3A_279 = arith.select %gt3A_278, %get3A_277, %scan3A_217 : vector<16xi1>, vector<16xf32>
      %select_n3A_280 = arith.select %gt3A_278, %broadcast_in_dim3A_226, %scan3A_225 : vector<16xi1>, vector<16xi32>
      scf.yield %select_n3A, %select_n3A_237, %select_n3A_244, %select_n3A_251, %select_n3A_258, %select_n3A_265, %select_n3A_272, %select_n3A_279, %select_n3A_231, %select_n3A_238, %select_n3A_245, %select_n3A_252, %select_n3A_259, %select_n3A_266, %select_n3A_273, %select_n3A_280 : vector<16xf32>, vector<16xf32>, vector<16xf32>, vector<16xf32>, vector<16xf32>, vector<16xf32>, vector<16xf32>, vector<16xf32>, vector<16xi32>, vector<16xi32>, vector<16xi32>, vector<16xi32>, vector<16xi32>, vector<16xi32>, vector<16xi32>, vector<16xi32>
    }
    %scan3A_176 = arith.constant 127 : i32
    %swap3A_177 = arith.constant 128 : index
    %swap3A_178 = tpu.vector_load %arg6[%swap3A_177] {strides = array<i32>} : memref<256xi32, #tpu.memory_space<vmem>>, vector<16xi32>,
    %swap3A_179 = vector.shape_cast %swap3A_178 : vector<16xi32> to vector<16xi32>
    %swap3A_180 = vector.shape_cast %scan3A_175#8 : vector<16xi32> to vector<16xi32>
    tpu.vector_store %arg6[%swap3A_177], %swap3A_180 {strides = array<i32>} : memref<256xi32, #tpu.memory_space<vmem>>, vector<16xi32>,
    %swap3A_181 = arith.constant 144 : index
    %swap3A_182 = tpu.vector_load %arg6[%swap3A_181] {strides = array<i32>} : memref<256xi32, #tpu.memory_space<vmem>>, vector<16xi32>,
    %swap3A_183 = vector.shape_cast %swap3A_182 : vector<16xi32> to vector<16xi32>
    %swap3A_184 = vector.shape_cast %scan3A_175#9 : vector<16xi32> to vector<16xi32>
    tpu.vector_store %arg6[%swap3A_181], %swap3A_184 {strides = array<i32>} : memref<256xi32, #tpu.memory_space<vmem>>, vector<16xi32>,
    %swap3A_185 = arith.constant 160 : index
    %swap3A_186 = tpu.vector_load %arg6[%swap3A_185] {strides = array<i32>} : memref<256xi32, #tpu.memory_space<vmem>>, vector<16xi32>,
    %swap3A_187 = vector.shape_cast %swap3A_186 : vector<16xi32> to vector<16xi32>
    %swap3A_188 = vector.shape_cast %scan3A_175#10 : vector<16xi32> to vector<16xi32>
    tpu.vector_store %arg6[%swap3A_185], %swap3A_188 {strides = array<i32>} : memref<256xi32, #tpu.memory_space<vmem>>, vector<16xi32>,
    %swap3A_189 = arith.constant 176 : index
    %swap3A_190 = tpu.vector_load %arg6[%swap3A_189] {strides = array<i32>} : memref<256xi32, #tpu.memory_space<vmem>>, vector<16xi32>,
    %swap3A_191 = vector.shape_cast %swap3A_190 : vector<16xi32> to vector<16xi32>
    %swap3A_192 = vector.shape_cast %scan3A_175#11 : vector<16xi32> to vector<16xi32>
    tpu.vector_store %arg6[%swap3A_189], %swap3A_192 {strides = array<i32>} : memref<256xi32, #tpu.memory_space<vmem>>, vector<16xi32>,
    %swap3A_193 = arith.constant 192 : index
    %swap3A_194 = tpu.vector_load %arg6[%swap3A_193] {strides = array<i32>} : memref<256xi32, #tpu.memory_space<vmem>>, vector<16xi32>,
    %swap3A_195 = vector.shape_cast %swap3A_194 : vector<16xi32> to vector<16xi32>
    %swap3A_196 = vector.shape_cast %scan3A_175#12 : vector<16xi32> to vector<16xi32>
    tpu.vector_store %arg6[%swap3A_193], %swap3A_196 {strides = array<i32>} : memref<256xi32, #tpu.memory_space<vmem>>, vector<16xi32>,
    %swap3A_197 = arith.constant 208 : index
    %swap3A_198 = tpu.vector_load %arg6[%swap3A_197] {strides = array<i32>} : memref<256xi32, #tpu.memory_space<vmem>>, vector<16xi32>,
    %swap3A_199 = vector.shape_cast %swap3A_198 : vector<16xi32> to vector<16xi32>
    %swap3A_200 = vector.shape_cast %scan3A_175#13 : vector<16xi32> to vector<16xi32>
    tpu.vector_store %arg6[%swap3A_197], %swap3A_200 {strides = array<i32>} : memref<256xi32, #tpu.memory_space<vmem>>, vector<16xi32>,
    %swap3A_201 = arith.constant 224 : index
    %swap3A_202 = tpu.vector_load %arg6[%swap3A_201] {strides = array<i32>} : memref<256xi32, #tpu.memory_space<vmem>>, vector<16xi32>,
    %swap3A_203 = vector.shape_cast %swap3A_202 : vector<16xi32> to vector<16xi32>
    %swap3A_204 = vector.shape_cast %scan3A_175#14 : vector<16xi32> to vector<16xi32>
    tpu.vector_store %arg6[%swap3A_201], %swap3A_204 {strides = array<i32>} : memref<256xi32, #tpu.memory_space<vmem>>, vector<16xi32>,
    %swap3A_205 = arith.constant 240 : index
    %swap3A_206 = tpu.vector_load %arg6[%swap3A_205] {strides = array<i32>} : memref<256xi32, #tpu.memory_space<vmem>>, vector<16xi32>,
    %swap3A_207 = vector.shape_cast %swap3A_206 : vector<16xi32> to vector<16xi32>
    %swap3A_208 = vector.shape_cast %scan3A_175#15 : vector<16xi32> to vector<16xi32>
    tpu.vector_store %arg6[%swap3A_205], %swap3A_208 {strides = array<i32>} : memref<256xi32, #tpu.memory_space<vmem>>, vector<16xi32>,
    "tpu.region"() ({
      %run_scoped3A = tpu.sem_alloc : memref<!tpu.dma_semaphore, #tpu.memory_space<semaphore_mem>>
      %dma_start3A_209 = tpu.memref_slice %arg3[%mul3A_2] : memref<8192xi32, #tpu.memory_space<hbm>> -> memref<256xi32, #tpu.memory_space<hbm>>
      %dma_start3A_210 = tpu.memref_slice %arg3[%mul3A_2] : memref<8192xi32, #tpu.memory_space<hbm>> -> memref<256xi32, #tpu.memory_space<hbm>>
      tpu.enqueue_dma source(%arg6 : memref<256xi32, #tpu.memory_space<vmem>>) target(%dma_start3A_210 : memref<256xi32, #tpu.memory_space<hbm>>) target_semaphore(%run_scoped3A : memref<!tpu.dma_semaphore, #tpu.memory_space<semaphore_mem>>)
      %dma_wait3A_211 = tpu.memref_slice %arg3[%mul3A_2] : memref<8192xi32, #tpu.memory_space<hbm>> -> memref<256xi32, #tpu.memory_space<hbm>>
      %dma_wait3A_212 = tpu.memref_slice %arg3[%mul3A_2] : memref<8192xi32, #tpu.memory_space<hbm>> -> memref<256xi32, #tpu.memory_space<hbm>>
      tpu.wait_dma2 semaphore(%run_scoped3A : memref<!tpu.dma_semaphore, #tpu.memory_space<semaphore_mem>>) src(%arg6 : memref<256xi32, #tpu.memory_space<vmem>>) dst(%dma_wait3A_212 : memref<256xi32, #tpu.memory_space<hbm>>)
      tpu.yield
    }) : () -> ()
    return
  }
}

module attributes {stable_mosaic.version = 14 : i64} {
  func.func @_tc_body(%arg0: i32, %arg1: memref<128x2048xf32, #tpu.memory_space<vmem>>, %arg2: memref<1x2048xi32, #tpu.memory_space<vmem>>) attributes {dimension_semantics = [#tpu.dimension_semantics<arbitrary>], iteration_bounds = array<i64: 12>, scalar_prefetch = 0 : i64, scratch_operands = 0 : i64, tpu.core_type = #tpu.core_type<tc>, window_params = [{transform_indices = @transform_0, window_bounds = array<i64: 128, 2048>}, {transform_indices = @transform_1, window_bounds = array<i64: 1, 2048>}]} {
    %get3A = arith.constant 0 : index
    %get3A_0 = arith.constant 0 : index
    %get3A_1 = vector.load %arg1[%get3A, %get3A_0] : memref<128x2048xf32, #tpu.memory_space<vmem>>, vector<128x2048xf32>
    %iota3A = tpu.iota {dimensions = array<i32: 0>} : vector<128x2048xi32>
    %reduce_max3A = arith.constant dense<0xFF800000> : vector<2048xf32>
    %reduce_max3A_2 = vector.multi_reduction <maximumf>, %get3A_1, %reduce_max3A [0] : vector<128x2048xf32> to vector<2048xf32>
    %broadcast_in_dim3A = vector.shape_cast %reduce_max3A_2 : vector<2048xf32> to vector<1x2048xf32>
    %eq3A = vector.broadcast %broadcast_in_dim3A : vector<1x2048xf32> to vector<128x2048xf32>
    %eq3A_3 = arith.cmpf oeq, %get3A_1, %eq3A : vector<128x2048xf32>
    %jit3A = arith.constant 128 : i32
    %broadcast_in_dim3A_4 = vector.broadcast %jit3A : i32 to vector<128x2048xi32>
    %select_n3A = arith.select %eq3A_3, %iota3A, %broadcast_in_dim3A_4 : vector<128x2048xi1>, vector<128x2048xi32>
    %reduce_min3A = arith.constant dense<2147483647> : vector<2048xi32>
    %reduce_min3A_5 = vector.multi_reduction <minsi>, %select_n3A, %reduce_min3A [0] : vector<128x2048xi32> to vector<2048xi32>
    %broadcast_in_dim3A_6 = vector.shape_cast %reduce_min3A_5 : vector<2048xi32> to vector<1x2048xi32>
    %swap3A = arith.constant 0 : index
    %swap3A_7 = arith.constant 0 : index
    %swap3A_8 = vector.load %arg2[%swap3A, %swap3A_7] : memref<1x2048xi32, #tpu.memory_space<vmem>>, vector<1x2048xi32>
    tpu.vector_store %arg2[%swap3A, %swap3A_7], %broadcast_in_dim3A_6 {strides = array<i32>} : memref<1x2048xi32, #tpu.memory_space<vmem>>, vector<1x2048xi32>,
    return
  }
  func.func @transform_0(%arg0: i32) -> (i32, i32) {
    %c0_i32 = arith.constant 0 : i32
    %c0_i32_0 = arith.constant 0 : i32
    return %c0_i32, %arg0 : i32, i32
  }
  func.func @transform_1(%arg0: i32) -> (i32, i32) {
    %c0_i32 = arith.constant 0 : i32
    %c0_i32_0 = arith.constant 0 : i32
    return %c0_i32, %arg0 : i32, i32
  }
}

</mosaic_0001>

<sc_bundles>
// kernel: _argmax_hybrid.4.cloned.1.call-start
scs
__scs_entry_jumppad:
0x0: {  	(pc) =	sbr.rel $0x88, $3  }
0x1: {  	(tag) =	ssettag $0x0;
	lr =	simm.s32 $0x1  }
0x2: {  	[smem:$0x3FA0] =	sst lr;
	_ =	strace $0xD0000000  }
0x3: {  	_ = 	snop  }
0x4: {  	_ = 	snop  }
0x5: {  	_ = 	snop  }
0x6: {  	_ = 	snop  }
0x7: {  	_ = 	snop  }
__scs_overlays_trampoline_lowered:
0x8: {  	[smem:$0x3FAF] =	sst s0  }
0x9: {  	[smem:$0x3FB0] =	sst s1  }
0xa: {  	[smem:$0x3FB1] =	sst s2  }
0xb: {  	[smem:$0x3FB2] =	sst s3  }
0xc: {  	[smem:$0x3FB3] =	sst s4  }
0xd: {  	[smem:$0x3FB4] =	sst s5  }
0xe: {  	[smem:$0x3FB5] =	sst s6  }
0xf: {  	[smem:$0x3FB6] =	sst s7  }
0x10: {  	[smem:$0x3FB7] =	sst s8  }
0x11: {  	[smem:$0x3FB8] =	sst s9;
	s0 =	simm.s32 @!p0 $0x0  }
0x12: {  	s1 =	sld [smem:$0x3F9E];
	s0 =	simm.s32 @p0 $0x1  }
0x13: {  	[smem:$0x3FB9] =	sst s0;
	s0 =	simm.s32 @!p1 $0x0  }
0x14: {  	s2 =	sld [smem:$0x3F9D];
	s0 =	simm.s32 @p1 $0x1  }
0x15: {  	[smem:$0x3FBA] =	sst s0;
	s0 =	simm.s32 @!p2 $0x0  }
0x16: {  	s3 =	sld [smem:$0x3FDB];
	s0 =	simm.s32 @p2 $0x1  }
0x17: {  	s4 =	simm.s32 $0x1BF5;
	[smem:$0x3FBC] =	sst s0  }
0x18: {  	s0 =	sld [smem:$0x3F9F];
	_ =	swait.ge [sflag:s4], $0x0  }
0x19: {  	s7 =	sld [smem:$0x3FA0]  }
0x1a: {  	s8 =	sadd.s32 $0xFFFFE003, lr  }
0x1b: {  	s9 =	sadd.s32 $0xFFFFFEF7, lr;
	s5 =	simm.s32 $0xFFFFFFFF;
	p2 =	slt.u32 s8, $0xFFFFF086  }
0x1c: {  	p1 =	slt.u32 s9, $0xF7A;
	s5 =	simm.s32 @!p2 $0x0  }
0x1d: {  	s5 =	simm.s32 @p1 $0x1;
	p0 =	seq.s32 s7, s2  }
0x1e: {  	s7 =	smul.u32 @!p0 $0xF7A, s2;
	p2 =	seq.s32 @!p0 s5, $0x0  }
0x1f: {  	s9 =	smul.u32 $0xF7A, s1;
	s8 =	simm.s32 @!p0 $0x1BF5;
	p2 =	por !p2, p0  }
0x20: {  	[sflag:s8] =	ssyncset.s32 @!p0 $0xFFFFF086;
	s6 =	sadd.s32 @!p0 s3, s7;
	s7 =	simm.s32 @!p0 $0x108  }
0x21: {  	s3 =	sadd.s32 s3, s9;
	s6 =	sadd.s32 @!p0 $0x88, s6;
	s7 =	simm.s32 @p2 $0x1082  }
0x22: {  	[simem:s7], [sflag:s8] =	dma.local @!p0 [hbm:s6], $0xF7A  }
0x23: {  	s9 =	sor.u32 $0xD0000000, s2;
	s6 =	simm.s32 $0x108;
	_ =	swait.ge @!p0 [sflag:s8], $0x0  }
0x24: {  	s3 =	sadd.s32 $0x88, s3;
	s6 =	simm.s32 @!p1 $0x1082;
	[sflag:s4] =	ssyncset.s32 $0xFFFFF086  }
0x25: {  	[simem:s6], [sflag:s4] =	dma.local [hbm:s3], $0xF7A  }
0x26: {  	[smem:$0x3FA0] =	sst s1;
	(tag) =	ssettag s2;
	_ =	strace s9  }
0x27: {  	s1 =	sld [smem:$0x3FB0]  }
0x28: {  	s2 =	sld [smem:$0x3FB1]  }
0x29: {  	s4 =	sld [smem:$0x3FB3]  }
0x2a: {  	p0 =	seq.s32 s5, $0x0;
	s5 =	sld [smem:$0x3FB4]  }
0x2b: {  	s6 =	sld [smem:$0x3FB5]  }
0x2c: {  	s7 =	sld [smem:$0x3FB6]  }
0x2d: {  	s3 =	simm.s32 $0x108;
	s8 =	sld [smem:$0x3FB7]  }
0x2e: {  	s3 =	simm.s32 @!p0 $0x1082;
	s9 =	sld [smem:$0x3FB8]  }
0x2f: {  	lr =	sadd.s32 s0, s3;
	s0 =	sld [smem:$0x3FAF]  }
0x30: {  	s3 =	sld [smem:$0x3FB2]  }
0x31: {  	[smem:$0x3FBB] =	sst s10  }
0x32: {  	s10 =	sld [smem:$0x3FB9];
	_ =	sdelay $0x3  }
0x33: {  	p0 =	seq.s32 s10, $0x1;
	s10 =	sld [smem:$0x3FBB];
	_ =	sdelay $0x3  }
0x34: {  	[smem:$0x3FBB] =	sst s10  }
0x35: {  	s10 =	sld [smem:$0x3FBA];
	_ =	sdelay $0x3  }
0x36: {  	p1 =	seq.s32 s10, $0x1;
	s10 =	sld [smem:$0x3FBB];
	_ =	sdelay $0x3  }
0x37: {  	[smem:$0x3FBB] =	sst s10  }
0x38: {  	s10 =	sld [smem:$0x3FBC]  }
0x39: {  	_ = 	snop;
	(pc) =	sbr.ind lr, $3  }
0x3a: {  	_ = 	snop  }
0x3b: {  	_ = 	snop  }
0x3c: {  	p2 =	seq.s32 s10, $0x1;
	s10 =	sld [smem:$0x3FBB]  }
0x3d: {  	_ =	shalt  }
0x3e: {  	_ =	shalt  }
0x3f: {  	_ =	shalt  }
0x40: {  	_ =	shalt  }
0x41: {  	_ =	shalt  }
0x42: {  	_ =	shalt  }
0x43: {  	_ =	shalt  }
0x44: {  	_ =	shalt  }
0x45: {  	_ =	shalt  }
0x46: {  	_ =	shalt  }
0x47: {  	_ =	shalt  }
0x48: {  	_ =	shalt  }
0x49: {  	_ =	shalt  }
0x4a: {  	_ =	shalt  }
0x4b: {  	_ =	shalt  }
0x4c: {  	_ =	shalt  }
0x4d: {  	_ =	shalt  }
0x4e: {  	_ =	shalt  }
0x4f: {  	_ =	shalt  }
0x50: {  	_ =	shalt  }
0x51: {  	_ =	shalt  }
0x52: {  	_ =	shalt  }
0x53: {  	_ =	shalt  }
0x54: {  	_ =	shalt  }
0x55: {  	_ =	shalt  }
0x56: {  	_ =	shalt  }
0x57: {  	_ =	shalt  }
0x58: {  	_ =	shalt  }
0x59: {  	_ =	shalt  }
0x5a: {  	_ =	shalt  }
0x5b: {  	_ =	shalt  }
0x5c: {  	_ =	shalt  }
0x5d: {  	_ =	shalt  }
0x5e: {  	_ =	shalt  }
0x5f: {  	_ =	shalt  }
0x60: {  	_ =	shalt  }
0x61: {  	_ =	shalt  }
0x62: {  	_ =	shalt  }
0x63: {  	_ =	shalt  }
0x64: {  	_ =	shalt  }
0x65: {  	_ =	shalt  }
0x66: {  	_ =	shalt  }
0x67: {  	_ =	shalt  }
0x68: {  	_ =	shalt  }
0x69: {  	_ =	shalt  }
0x6a: {  	_ =	shalt  }
0x6b: {  	_ =	shalt  }
0x6c: {  	_ =	shalt  }
0x6d: {  	_ =	shalt  }
0x6e: {  	_ =	shalt  }
0x6f: {  	_ =	shalt  }
0x70: {  	_ =	shalt  }
0x71: {  	_ =	shalt  }
0x72: {  	_ =	shalt  }
0x73: {  	_ =	shalt  }
0x74: {  	_ =	shalt  }
0x75: {  	_ =	shalt  }
0x76: {  	_ =	shalt  }
0x77: {  	_ =	shalt  }
0x78: {  	_ =	shalt  }
0x79: {  	_ =	shalt  }
0x7a: {  	_ =	shalt  }
0x7b: {  	_ =	shalt  }
0x7c: {  	_ =	shalt  }
0x7d: {  	_ =	shalt  }
0x7e: {  	_ =	shalt  }
0x7f: {  	_ =	shalt  }
0x80: {  	_ =	shalt  }
0x81: {  	_ =	shalt  }
0x82: {  	_ =	shalt  }
0x83: {  	_ =	shalt  }
0x84: {  	_ =	shalt  }
0x85: {  	_ =	shalt  }
0x86: {  	_ =	shalt  }
0x87: {  	_ =	shalt  }
.Lfunc_end0:
.L_simem_size_0:
called_computation_lowered:
.L_overlay_start_0:
0x88: {  	s2 =	sld [smem:$0x3FD9]  }
0x89: {  	s3 =	sld [smem:$0x3FFE];
	_ =	sdelay $0x1  }
0x8a: {  	s1 =	srdreg.scid  }
0x8b: {  	s0 =	sand.u32 $0x1, s1  }
0x8c: {  	s17 =	sshll.u32 s0, $0xA;
	s2 =	sadd.s32 s3, s2  }
0x8d: {  	s2 =	sadd.s32 s2, s17  }
0x8e: {  	[smem:$0x3FC7] =	sst s2  }
0x8f: {  	_ = 	snop  }
0x90: {  	s2 =	sld [smem:$0x3FC9];
	(tm) =	ssettm $0x1  }
0x91: {  	s18 =	sld [smem:$0x3FFB];
	_ =	sdelay $0x3  }
0x92: {  	_ =	strace s18  }
0x93: {  	s3 =	sld [smem:$0x3FFC];
	_ =	sdelay $0x3  }
0x94: {  	_ =	strace s3  }
0x95: {  	s3 =	sld [smem:$0x3FFD];
	_ =	sdelay $0x3  }
0x96: {  	_ =	strace s3  }
0x97: {  	_ =	strace $0x8FFFFFFF  }
0x98: {  	s19 =	sld [smem:$0x3FDB];
	_ =	sdelay $0x1  }
0x99: {  	s4 =	simm.s32 $_scs_section_size  }
0x9a: {  	s5 =	simm.s32 $_size__tile_overlayer_lowered;
	s6 =	simm.s32 $_tile_overlayer_lowered  }
0x9b: {  	s22 =	simm.s32 $0x1BFF;
	s21 =	sshll.u32 s6, $0x1;
	s3 =	sadd.s32 s4, s19  }
0x9c: {  	s7 =	simm.s32 $0x0;
	s20 =	sshll.u32 s5, $0x1;
	s5 =	sadd.s32 s21, s3  }
0x9d: {  	[timem:s7], [sflag:s22] =	dma.local [hbm:s5], s20  }
0x9e: {  	_ =	swait.ge [sflag:s22], s20  }
0x9f: {  	s4 =	ssub.s32 $0x0, s20;
	[sflag:s22] =	ssyncset.done $0x0  }
0xa0: {  	[sflag:s22] =	ssyncadd.s32 s4;
	_ =	sdelay $0x1  }
0xa1: {  	s23 =	simm.s32 $0x1B8B  }
0xa2: {  	_ =	swait.ge [sflag:s23], $0x1  }
0xa3: {  	[sflag:s23] =	ssyncset.done $0x0  }
0xa4: {  	s25 =	simm.s32 $0x1B8E;
	s24 =	sld [smem:$0x3FFE];
	[sflag:s23] =	ssyncadd.s32 $0xFFFFFFFF  }
0xa5: {  	s26 =	simm.s32 $execute0_lowered;
	[smem:$0x3FD2] =	sst s25  }
0xa6: {  	s5 =	sshll.u32 s26, $0x1;
	_ =	strace $0x80000046;
	[dreg:$0x1] =	wrdreg $0xFFFFFFFF  }
0xa7: {  	s28 =	simm.s32 $_size_execute0_lowered;
	s3 =	sadd.s32 s3, s5;
	[dreg:$0x0] =	wrdreg $0x0  }
0xa8: {  	s5 =	sshll.u32 s28, $0x1;
	[dreg:$0x2] =	wrdreg s3  }
0xa9: {  	[dreg:$0x3] =	wrdreg s5  }
0xaa: {  	[dreg:$0x4] =	wrdreg $0xC0  }
0xab: {  	_ =	task [dreg:s7], $0x5FFFF  }
0xac: {  	[dreg:$0x1] =	wrdreg $0xFFFFFFFF  }
0xad: {  	[dreg:$0x0] =	wrdreg $0x60  }
0xae: {  	[dreg:$0x2] =	wrdreg s2  }
0xaf: {  	[dreg:$0x3] =	wrdreg s24  }
0xb0: {  	[dreg:$0x4] =	wrdreg $0x9  }
0xb1: {  	_ =	task.clear_ibuf [dreg:s7], $0x5FFFF;
	_ =	strace $0x90000046  }
0xb2: {  	s29 =	simm.s32 $0x9;
	_ =	strace $0x80000048  }
0xb3: {  	_ =	swait.ge [sflag:s29], $0x1  }
0xb4: {  	[sflag:s29] =	ssyncadd.s32 $0xFFFFFFFF  }
0xb5: {  	_ =	strace $0x90000048  }
0xb6: {  	_ =	sfence  }
0xb7: {  	s30 =	sld [smem:$0x0];
	_ =	sdelay $0x2  }
0xb8: {  	s31 =	sshll.u32 s1, $0xD;
	s1 =	sshrl.u32 s1, $0x2  }
0xb9: {  	s3 =	sand.u32 $0x4000, s31;
	s1 =	sadd.s32 s1, s30  }
0xba: {  	s0 =	sor.u32 s3, s0;
	s1 =	sshll.u32 s1, $0x11  }
0xbb: {  	s0 =	sor.u32 s1, s0  }
0xbc: {  	s0 =	sadd.s32 $0x8F2B, s0  }
0xbd: {  	[sflag:s0] =	ssyncadd.remote.s32 $0x1  }
0xbe: {  	_ =	sfence.sel $0xFFFF  }
0xbf: {  	[dreg:$0x0] =	wrdreg $0xFFFFFFFF;
	(pc) =	sbr.abs _section_cstart, $3  }
0xc0: {  	[dreg:$0x1] =	wrdreg $0xFFFFFFFF  }
0xc1: {  	_ =	task.clear_ibuf [dreg:s7], $0x2FFFF;
	_ =	strace $0x9FFFFFFF  }
0xc2: {  	(tm) =	ssettm $0x7FFFFFFF  }
0xc3: {  	_ =	shalt  }
tec
execute0_lowered:
.L_overlay_start_1:
0x0: {  	(tag) =	ssettag $0x1  }
0x1: {  	s3 =	rddreg [dreg:$0x0]  }
0x2: {  	s4 =	rddreg [dreg:$0x1];
	s2 =	srdreg.scid  }
0x3: {  	s0 =	rddreg [dreg:$0x2];
	s1 =	stileid.u32  }
0x4: {  	s9 =	simm.s32 $0x4000;
	s10 =	simm.s32 $0x2;
	s11 =	simm.s32 $0x8000  }
0x5: {  	s12 =	simm.s32 $0x3;
	s13 =	simm.s32 $0x0;
	s5 =	sand.u32 $0x1, s2  }
0x6: {  	s2 =	simm.s32 $0x0;
	s6 =	sshll.u32 s1, $0x9;
	s7 =	sshll.u32 s5, $0x8  }
0x7: {  	[smem:$0x7FF] =	sst s2;
	s5 =	ssub.s32 $0x2, s5;
	s6 =	sor.u32 s7, s6  }
0x8: {  	_ =	strace $0x80000047;
	s31 =	sshrl.u32 s5, $0x1;
	s7 =	sshrl.u32 s6, $0x3  }
0x9: {  	s6 =	sadd.s32 s6, s3;
	s8 =	ssub.s32 s5, s31;
	s7 =	sadd.s32 s7, s4  }
0xa: {  	s3 =	sadd.s32 $0x6000, s6;
	s4 =	sadd.s32 $0x6080, s6;
	s6 =	smax.u32 s8, $0x1  }
0xb: {  	s8 =	simm.s32 $0x40000;
	s5 =	sadd.s32 $0x600, s7;
	s7 =	simm.s32 $0x400  }
.LBB2_1:
0xc: {  	[tilespmem:s2], [sflag:$0x1] =	stream.strided.gather [hbm4b:s3+s7], $0x4000, s8, s7, $0x38;
	[tilespmem:$0x8100] =	vst v63  }
0xd: {  	s14 =	simm.s32 $0x1  }
0xe: {  	[tilespmem:s9], [sflag:$0x2] =	stream.strided.gather [hbm4b:s4+s7], $0x4000, s8, s7, $0x38;
	[tilespmem:$0x8100] =	vst v63  }
0xf: {  	_ =	swait.ge [sflag:s14], $0x4000  }
0x10: {  	[sflag:s14] =	ssyncset.done $0x0  }
0x11: {  	[sflag:s14] =	ssyncadd.s32 $0xFFFFC000  }
0x12: {  	v2 =	vld [tilespmem:$0x0]  }
0x13: {  	v3 =	vld [tilespmem:$0x10]  }
0x14: {  	v6 =	vld [tilespmem:$0x20]  }
0x15: {  	v8 =	vld [tilespmem:$0x30]  }
0x16: {  	v10 =	vld [tilespmem:$0x40]  }
0x17: {  	v12 =	vld [tilespmem:$0x50]  }
0x18: {  	s15 =	simm.s32 $0xF0;
	v14 =	vld [tilespmem:$0x60]  }
0x19: {  	v4 =	vld [tilespmem:s15+$0xFFFFFF90]  }
0x1a: {  	v5 =	vld [tilespmem:s15+$0xFFFFFFA0]  }
0x1b: {  	v9 =	vld [tilespmem:s15+$0xFFFFFFB0]  }
0x1c: {  	v11 =	vld [tilespmem:s15+$0xFFFFFFC0]  }
0x1d: {  	v16 =	vld [tilespmem:s15+$0xFFFFFFD0]  }
0x1e: {  	v17 =	vld [tilespmem:s15+$0xFFFFFFE0]  }
0x1f: {  	v18 =	vld [tilespmem:s15+$0xFFFFFFF0]  }
0x20: {  	v15 =	vld [tilespmem:$0x70]  }
0x21: {  	s16 =	simm.s32 $0x170;
	v19 =	vld [tilespmem:s15+$0x0]  }
0x22: {  	v0 =	vimm.s32 $0x0;
	v22 =	vld [tilespmem:s16+$0xFFFFFF90];
	vm0 =	vgt.f32 v4, v2;
	vm1 =	vgt.f32 v5, v3  }
0x23: {  	v1 =	vld [tilespmem:s16+$0xFFFFFFA0];
	vm2 =	vgt.f32 v9, v6;
	vm3 =	vgt.f32 v11, v8;
	vm4 =	vgt.f32 v16, v10  }
0x24: {  	v23 =	vld [tilespmem:s16+$0xFFFFFFB0];
	vm5 =	vgt.f32 v17, v12;
	vm6 =	vgt.f32 v18, v14;
	v4 =	vsel vm0, v4, v2  }
0x25: {  	v7 =	vld [tilespmem:s16+$0xFFFFFFC0];
	v2 =	vsel vm0, s14, v0;
	v5 =	vsel vm1, v5, v3;
	v13 =	vsel vm2, v9, v6  }
0x26: {  	v9 =	vsel vm3, v11, v8;
	v6 =	vsel vm4, v16, v10;
	v10 =	vld [tilespmem:s16+$0xFFFFFFD0];
	vm0 =	vgt.f32 v19, v15  }
0x27: {  	v11 =	vld [tilespmem:s16+$0xFFFFFFE0];
	v12 =	vsel vm5, v17, v12;
	v8 =	vsel vm6, v18, v14;
	v21 =	vsel vm1, s14, v0  }
0x28: {  	v14 =	vld [tilespmem:s16+$0xFFFFFFF0];
	v16 =	vsel vm3, s14, v0;
	v20 =	vsel vm4, s14, v0;
	v17 =	vsel vm5, s14, v0  }
0x29: {  	s17 =	simm.s32 $0x3;
	s15 =	simm.s32 $0x2;
	v18 =	vld [tilespmem:s16+$0x0];
	s16 =	simm.s32 $0x1F0;
	v3 =	vsel vm0, v19, v15;
	v19 =	vsel vm2, s14, v0;
	v15 =	vsel vm6, s14, v0  }
.LBB2_2:
0x2a: {  	v24 =	vld [tilespmem:s16+$0xFFFFFF90];
	p0 =	sne.s32 s17, $0x7F;
	vm1 =	vgt.f32 v22, v4;
	vm2 =	vgt.f32 v1, v5;
	v0 =	vsel vm0, s14, v0;
	s14 =	smov.u32 s15;
	s15 =	smov.u32 s17  }
0x2b: {  	v4 =	vsel vm1, v22, v4;
	v2 =	vsel vm1, s14, v2;
	v5 =	vsel vm2, v1, v5;
	v1 =	vld [tilespmem:s16+$0xFFFFFFA0]  }
0x2c: {  	vm3 =	vgt.f32 v7, v9;
	vm1 =	vgt.f32 v23, v13;
	vm4 =	vgt.f32 v10, v6;
	v25 =	vld [tilespmem:s16+$0xFFFFFFB0]  }
.Ltmp0:
0x2d: {  	v9 =	vsel vm3, v7, v9;
	v13 =	vsel vm1, v23, v13;
	v6 =	vsel vm4, v10, v6;
	v7 =	vld [tilespmem:s16+$0xFFFFFFC0];
	(pc) =	sbr.rel @p0 .LBB2_2-.Ltmp0, $4  }
0x2e: {  	vm5 =	vgt.f32 v11, v12;
	vm6 =	vgt.f32 v14, v8;
	v10 =	vld [tilespmem:s16+$0xFFFFFFD0];
	vm0 =	vgt.f32 v18, v3  }
0x2f: {  	v12 =	vsel vm5, v11, v12;
	v8 =	vsel vm6, v14, v8;
	v11 =	vld [tilespmem:s16+$0xFFFFFFE0];
	v3 =	vsel vm0, v18, v3;
	v22 =	vmovc v24  }
0x30: {  	v21 =	vsel vm2, s14, v21;
	v16 =	vsel vm3, s14, v16;
	v19 =	vsel vm1, s14, v19;
	v14 =	vld [tilespmem:s16+$0xFFFFFFF0]  }
0x31: {  	s17 =	sadd.s32 $0x1, s17;
	v20 =	vsel vm4, s14, v20;
	v17 =	vsel vm5, s14, v17;
	v15 =	vsel vm6, s14, v15;
	v18 =	vld [tilespmem:s16+$0x0];
	s16 =	sadd.s32 $0x80, s16;
	v23 =	vmovc v25  }
0x32: {  	vm1 =	vgt.f32 v22, v4  }
0x33: {  	vm2 =	vgt.f32 v1, v5;
	v1 =	vsel vm1, s15, v2  }
0x34: {  	vm1 =	vgt.f32 v23, v13;
	v2 =	vsel vm2, s15, v21;
	[tilespmem:$0x8000] =	vst v1  }
0x35: {  	vm2 =	vgt.f32 v7, v9;
	v1 =	vsel vm1, s15, v19;
	[tilespmem:$0x8010] =	vst v2  }
0x36: {  	vm1 =	vgt.f32 v10, v6;
	v2 =	vsel vm2, s15, v16;
	[tilespmem:$0x8020] =	vst v1  }
0x37: {  	vm2 =	vgt.f32 v11, v12;
	v1 =	vsel vm1, s15, v20;
	[tilespmem:$0x8030] =	vst v2  }
0x38: {  	vm1 =	vgt.f32 v14, v8;
	v2 =	vsel vm2, s15, v17;
	[tilespmem:$0x8040] =	vst v1  }
0x39: {  	v0 =	vsel vm0, s14, v0;
	vm0 =	vgt.f32 v18, v3;
	v1 =	vsel vm1, s15, v15;
	[tilespmem:$0x8050] =	vst v2  }
0x3a: {  	v0 =	vsel vm0, s15, v0;
	[tilespmem:$0x8060] =	vst v1  }
0x3b: {  	[tilespmem:$0x8070] =	vst v0  }
0x3c: {  	_ =	swait.ge [sflag:s10], $0x4000  }
0x3d: {  	[sflag:s10] =	ssyncset.done $0x0  }
0x3e: {  	[sflag:s10] =	ssyncadd.s32 $0xFFFFC000  }
0x3f: {  	v2 =	vld [tilespmem:$0x4000]  }
0x40: {  	v3 =	vld [tilespmem:$0x4010]  }
0x41: {  	v6 =	vld [tilespmem:$0x4020]  }
0x42: {  	v8 =	vld [tilespmem:$0x4030]  }
0x43: {  	v10 =	vld [tilespmem:$0x4040]  }
0x44: {  	v12 =	vld [tilespmem:$0x4050]  }
0x45: {  	s31 =	simm.s32 $0x40F0;
	v14 =	vld [tilespmem:$0x4060]  }
0x46: {  	v4 =	vld [tilespmem:s31+$0xFFFFFF90]  }
0x47: {  	v5 =	vld [tilespmem:s31+$0xFFFFFFA0]  }
0x48: {  	v9 =	vld [tilespmem:s31+$0xFFFFFFB0]  }
0x49: {  	v11 =	vld [tilespmem:s31+$0xFFFFFFC0]  }
0x4a: {  	v16 =	vld [tilespmem:s31+$0xFFFFFFD0]  }
0x4b: {  	v17 =	vld [tilespmem:s31+$0xFFFFFFE0]  }
0x4c: {  	v18 =	vld [tilespmem:s31+$0xFFFFFFF0]  }
0x4d: {  	v15 =	vld [tilespmem:$0x4070]  }
0x4e: {  	s16 =	simm.s32 $0x4170;
	v19 =	vld [tilespmem:s31+$0x0]  }
0x4f: {  	v0 =	vimm.s32 $0x0;
	v22 =	vld [tilespmem:s16+$0xFFFFFF90];
	vm0 =	vgt.f32 v4, v2;
	vm1 =	vgt.f32 v5, v3  }
0x50: {  	v1 =	vld [tilespmem:s16+$0xFFFFFFA0];
	vm2 =	vgt.f32 v9, v6;
	vm3 =	vgt.f32 v11, v8;
	vm4 =	vgt.f32 v16, v10  }
0x51: {  	s14 =	simm.s32 $0x1;
	v23 =	vld [tilespmem:s16+$0xFFFFFFB0];
	vm5 =	vgt.f32 v17, v12;
	vm6 =	vgt.f32 v18, v14;
	v4 =	vsel vm0, v4, v2  }
0x52: {  	v7 =	vld [tilespmem:s16+$0xFFFFFFC0];
	v2 =	vsel vm0, s14, v0;
	v5 =	vsel vm1, v5, v3;
	v13 =	vsel vm2, v9, v6  }
0x53: {  	v9 =	vsel vm3, v11, v8;
	v6 =	vsel vm4, v16, v10;
	v10 =	vld [tilespmem:s16+$0xFFFFFFD0];
	vm0 =	vgt.f32 v19, v15  }
0x54: {  	v11 =	vld [tilespmem:s16+$0xFFFFFFE0];
	v12 =	vsel vm5, v17, v12;
	v8 =	vsel vm6, v18, v14;
	v21 =	vsel vm1, s14, v0  }
0x55: {  	v14 =	vld [tilespmem:s16+$0xFFFFFFF0];
	v16 =	vsel vm3, s14, v0;
	v20 =	vsel vm4, s14, v0;
	v17 =	vsel vm5, s14, v0  }
0x56: {  	s17 =	simm.s32 $0x3;
	s15 =	simm.s32 $0x2;
	v18 =	vld [tilespmem:s16+$0x0];
	s16 =	simm.s32 $0x41F0;
	v3 =	vsel vm0, v19, v15;
	v19 =	vsel vm2, s14, v0;
	v15 =	vsel vm6, s14, v0  }
.LBB2_4:
0x57: {  	v24 =	vld [tilespmem:s16+$0xFFFFFF90];
	p0 =	sne.s32 s17, $0x7F;
	vm1 =	vgt.f32 v22, v4;
	vm2 =	vgt.f32 v1, v5;
	v0 =	vsel vm0, s14, v0;
	s14 =	smov.u32 s15;
	s15 =	smov.u32 s17  }
0x58: {  	v4 =	vsel vm1, v22, v4;
	v2 =	vsel vm1, s14, v2;
	v5 =	vsel vm2, v1, v5;
	v1 =	vld [tilespmem:s16+$0xFFFFFFA0]  }
0x59: {  	vm3 =	vgt.f32 v7, v9;
	vm1 =	vgt.f32 v23, v13;
	vm4 =	vgt.f32 v10, v6;
	v25 =	vld [tilespmem:s16+$0xFFFFFFB0]  }
.Ltmp1:
0x5a: {  	v9 =	vsel vm3, v7, v9;
	v13 =	vsel vm1, v23, v13;
	v6 =	vsel vm4, v10, v6;
	v7 =	vld [tilespmem:s16+$0xFFFFFFC0];
	(pc) =	sbr.rel @p0 .LBB2_4-.Ltmp1, $4  }
0x5b: {  	vm5 =	vgt.f32 v11, v12;
	vm6 =	vgt.f32 v14, v8;
	v10 =	vld [tilespmem:s16+$0xFFFFFFD0];
	vm0 =	vgt.f32 v18, v3  }
0x5c: {  	v12 =	vsel vm5, v11, v12;
	v8 =	vsel vm6, v14, v8;
	v11 =	vld [tilespmem:s16+$0xFFFFFFE0];
	v3 =	vsel vm0, v18, v3;
	v22 =	vmovc v24  }
0x5d: {  	v21 =	vsel vm2, s14, v21;
	v16 =	vsel vm3, s14, v16;
	v19 =	vsel vm1, s14, v19;
	v14 =	vld [tilespmem:s16+$0xFFFFFFF0]  }
0x5e: {  	s17 =	sadd.s32 $0x1, s17;
	v20 =	vsel vm4, s14, v20;
	v17 =	vsel vm5, s14, v17;
	v15 =	vsel vm6, s14, v15;
	v18 =	vld [tilespmem:s16+$0x0];
	s16 =	sadd.s32 $0x80, s16;
	v23 =	vmovc v25  }
0x5f: {  	vm1 =	vgt.f32 v22, v4  }
0x60: {  	vm2 =	vgt.f32 v1, v5;
	v57 =	vsel vm1, s15, v2  }
0x61: {  	vm10 =	vgt.f32 v23, v13;
	v58 =	vsel vm2, s15, v21;
	[tilespmem:$0x8080] =	vst v57  }
0x62: {  	vm11 =	vgt.f32 v7, v9;
	v59 =	vsel vm10, s15, v19;
	[tilespmem:$0x8090] =	vst v58  }
0x63: {  	vm12 =	vgt.f32 v10, v6;
	v60 =	vsel vm11, s15, v16;
	[tilespmem:$0x80A0] =	vst v59  }
0x64: {  	vm13 =	vgt.f32 v11, v12;
	v61 =	vsel vm12, s15, v20;
	[tilespmem:$0x80B0] =	vst v60  }
0x65: {  	vm14 =	vgt.f32 v14, v8;
	v62 =	vsel vm13, s15, v17;
	[tilespmem:$0x80C0] =	vst v61  }
0x66: {  	v0 =	vsel vm0, s14, v0;
	s13 =	sadd.s32 $0x1, s13;
	vm15 =	vgt.f32 v18, v3;
	v63 =	vsel vm14, s15, v15;
	[tilespmem:$0x80D0] =	vst v62  }
0x67: {  	p0 =	sne.s32 s13, s6;
	v0 =	vsel vm15, s15, v0;
	[tilespmem:$0x80E0] =	vst v63  }
.Ltmp2:
0x68: {  	[tilespmem:$0x80F0] =	vst v0;
	(pc) =	sbr.rel @p0 .LBB2_1-.Ltmp2, $4  }
0x69: {  	[hbm4b:s5+s2] =	stream.linear.scatter [tilespmem:s11], [sflag:$0x3], $0x100, $0x38;
	[tilespmem:$0x8100] =	vst v63  }
0x6a: {  	_ =	swait.ge [sflag:s12], $0x100  }
0x6b: {  	[sflag:s12] =	ssyncset.done $0x0  }
0x6c: {  	[sflag:s12] =	ssyncadd.s32 $0xFFFFFF00  }
0x6d: {  	_ =	sfence.sel $0x180000  }
0x6e: {  	[bflag:$0x0] =	sbarrier.arrive $0xFFFF  }
0x6f: {  	p0 =	sne.s32 s1, $0x0;
	_ =	strace $0x90000047  }
0x70: {  	s0 =	sadd.s32 @!p0 $0x100000, s0;
	[bflag:$0x2] =	sbarrier.arrive $0xFFFF  }
0x71: {  	[sflag:s0] =	ssyncadd.tile.s32 @!p0 $0x1;
	_ =	shalt  }
.Lfunc_end2:
_tile_overlayer_lowered:
.L_overlay_start_2:
0x72: {  	(tag) =	ssettag $0x2  }
0x73: {  	s0 =	rddreg [dreg:$0x0];
	s2 =	stileid.u32  }
0x74: {  	s1 =	rddreg [dreg:$0x1];
	p0 =	sne.s32 s2, $0x0  }
0x75: {  	s3 =	rddreg [dreg:$0x2];
	[bflag:$0x3] =	sbarrier.arrive $0xFFFF;
	s2 =	simm.s32 @!p0 $0x1C03  }
0x76: {  	[timem:s3], [sflag:s2] =	dma.local @!p0 [hbm:s0], s1  }
0x77: {  	s0 =	simm.s32 @!p0 $0x3  }
0x78: {  	_ =	swait.ge @!p0 [sflag:s0], s1  }
0x79: {  	s1 =	ssub.s32 @!p0 $0x0, s1;
	[sflag:s0] =	ssyncset.done @!p0 $0x0  }
0x7a: {  	[sflag:s0] =	ssyncadd.s32 @!p0 s1  }
0x7b: {  	[bflag:$0x3] =	sbarrier.arrive $0xFFFF  }
0x7c: {  	_ =	shalt  }

</sc_bundles>
